<compile_context>
chip_gen: v7x
topology: tpu7x:2x2x1
jax: 0.10.2.dev20260603
libtpu: 0.0.44.dev20260713+nightly
codegen_flags: <defaults>
</compile_context>

<pallas_src>
import functools

import jax
import jax.numpy as jnp
from jax.experimental import pallas as pl
from jax.experimental.pallas import tpu as pltpu
from jax.experimental.pallas import tpu_sc as plsc


T = 50
TW = 2 * T
BLK = 2048


def _diff_matrix():
    k = jax.lax.broadcasted_iota(jnp.int32, (T, T), 0)
    j = jax.lax.broadcasted_iota(jnp.int32, (T, T), 1)
    plus = (j == k) & (k >= 1)
    minus = (j == k - 1) & (k >= 1)
    return plus.astype(jnp.float32) - minus.astype(jnp.float32)


def _body(tr_ref, pad_ref, f_ref, t_ref, c_ref, ctl_ref, itr_ref,
          ag_ref, ctr_ref, nf_ref):
    x = tr_ref[:, 0, :]
    y = tr_ref[:, 1, :]
    d = _diff_matrix()
    hi_dot = lambda a, b: jax.lax.dot(a, b, precision=jax.lax.Precision.HIGHEST,
                                      preferred_element_type=jnp.float32)
    ag_ref[0] = hi_dot(d, x)
    ag_ref[1] = hi_dot(d, y)
    ag_ref[2] = pad_ref[...]
    ctr_ref[0:1] = x[T - 1:]
    ctr_ref[1:2] = y[T - 1:]

    @pl.when(pl.program_id(0) == 0)
    def _():
        nf_ref[0:2] = f_ref[...]
        nf_ref[2:4] = t_ref[...]
        nf_ref[4:6] = c_ref[...]
        nf_ref[6:7] = ctl_ref[...].astype(jnp.float32).reshape(1, nf_ref.shape[1])
        nf_ref[7:8] = itr_ref[...].astype(jnp.float32).reshape(1, nf_ref.shape[1])


_SC_CORES = 1
_SC_SUBCORES = 16
_SC_LANES = 16
_SC_WORKERS = _SC_CORES * _SC_SUBCORES


def _sc_edge_body(pu, pv, su, sv, cu, puo, pvo, suo, svo, cu_v, buf, *, eps):
    n = pu.shape[0]
    chunk = n // _SC_WORKERS
    wid = jax.lax.axis_index("s") * _SC_CORES + jax.lax.axis_index("c")
    base = wid * chunk
    pltpu.sync_copy(cu.at[pl.ds(0, _SC_LANES)], cu_v)
    scene = (wid * chunk) // eps
    lane = jax.lax.broadcasted_iota(jnp.int32, (_SC_LANES,), 0)
    off_s = jnp.sum(jnp.where(lane == scene, cu_v[...], 0))
    off = jnp.full((_SC_LANES,), off_s, jnp.int32)

    def shift(src, dst):
        pltpu.sync_copy(src.at[pl.ds(base, chunk)], buf)

        def step(i, carry):
            sl = pl.ds(i * _SC_LANES, _SC_LANES)
            buf[sl] = buf[sl] + off
            return carry

        jax.lax.fori_loop(0, chunk // _SC_LANES, step, 0)
        pltpu.sync_copy(buf, dst.at[pl.ds(base, chunk)])

    shift(pu, puo)
    shift(pv, pvo)
    shift(su, suo)
    shift(sv, svo)


def _sc_edges(pre_u, pre_v, suc_u, suc_v, cu_nodes, eps):
    n = pre_u.shape[0]
    eshape = jax.ShapeDtypeStruct((n,), jnp.int32)
    mesh = plsc.VectorSubcoreMesh(
        core_axis_name="c", subcore_axis_name="s",
        num_cores=_SC_CORES, num_subcores=_SC_SUBCORES)
    return pl.kernel(
        functools.partial(_sc_edge_body, eps=eps),
        out_type=[eshape] * 4,
        mesh=mesh,
        compiler_params=pltpu.CompilerParams(needs_layout_passes=False),
        scratch_types=[
            pltpu.VMEM((_SC_LANES,), jnp.int32),
            pltpu.VMEM((n // _SC_WORKERS,), jnp.int32),
        ],
    )(pre_u, pre_v, suc_u, suc_v, cu_nodes)


@jax.jit
def kernel(trajs_flat, pad_flat, cu_agents, feats_flat, ctrs_flat, turn_flat,
           control_flat, intersect_flat, cu_nodes, pre_u, pre_v, suc_u, suc_v,
           cu_edges):
    nA = trajs_flat.shape[0]
    nN = feats_flat.shape[0]
    nE = pre_u.shape[0]
    nB = cu_edges.shape[0] - 1
    eps = nE // nB

    tr_t = trajs_flat.transpose(1, 2, 0)

    fixed = lambda shape: pl.BlockSpec(shape, lambda i: (0,) * len(shape))

    outs = pl.pallas_call(
        _body,
        grid=(nA // BLK,),
        in_specs=[
            pl.BlockSpec((T, 2, BLK), lambda i: (0, 0, i)),
            pl.BlockSpec((T, BLK), lambda i: (0, i)),
            fixed((2, nN)), fixed((2, nN)), fixed((2, nN)),
            fixed((nN,)), fixed((nN,)),
        ],
        out_specs=[
            pl.BlockSpec((3, T, BLK), lambda i: (0, 0, i)),
            pl.BlockSpec((2, BLK), lambda i: (0, i)),
            fixed((8, nN)),
        ],
        out_shape=[
            jax.ShapeDtypeStruct((3, T, nA), jnp.float32),
            jax.ShapeDtypeStruct((2, nA), jnp.float32),
            jax.ShapeDtypeStruct((8, nN), jnp.float32),
        ],
    )(tr_t, pad_flat.T,
      feats_flat.T, turn_flat.T, ctrs_flat.T, control_flat, intersect_flat)

    pre_u_g, pre_v_g, suc_u_g, suc_v_g = _sc_edges(
        pre_u, pre_v, suc_u, suc_v, cu_nodes, eps)

    agents = outs[0].transpose(2, 0, 1)
    agent_ctrs = outs[1].T
    node_feats = outs[2].T
    return (agents, agent_ctrs, node_feats, pre_u_g, pre_v_g,
            suc_u_g, suc_v_g)

# --- scband reference (transcript-rebuilt; emitter-appended) ---
"""Pipeline reference for scband-net-11622181503652 (READ-ONLY COPY).

The authoritative reference and input builder live on the scoring server;
editing this copy changes nothing except your own understanding.
"""

import jax, jax.numpy as jnp
import numpy as np

B = 16; APS = 1024; T = 50; NPS = 4000; EPS = 4000
A = B * APS; N = B * NPS; E = B * EPS

def setup_inputs(seed: int = 0) -> dict:
    key = jax.random.key(seed)
    ks = jax.random.split(key, 12)
    inp = {}
    inp['trajs_flat'] = jax.random.normal(ks[0], (A, T, 2), dtype=jnp.float32) * 10.0
    inp['pad_flat'] = (jax.random.uniform(ks[1], (A, T)) > 0.2).astype(jnp.float32)
    inp['cu_agents'] = jnp.arange(B + 1, dtype=jnp.int32) * APS
    inp['feats_flat'] = jax.random.normal(ks[2], (N, 2), dtype=jnp.float32)
    inp['ctrs_flat'] = jax.random.normal(ks[3], (N, 2), dtype=jnp.float32) * 50.0
    inp['turn_flat'] = jax.random.normal(ks[4], (N, 2), dtype=jnp.float32)
    inp['control_flat'] = jax.random.randint(ks[5], (N,), 0, 2, dtype=jnp.int32)
    inp['intersect_flat'] = jax.random.randint(ks[6], (N,), 0, 2, dtype=jnp.int32)
    inp['cu_nodes'] = jnp.arange(B + 1, dtype=jnp.int32) * NPS
    inp['pre_u'] = jax.random.randint(ks[7], (E,), 0, NPS, dtype=jnp.int32)
    inp['pre_v'] = jax.random.randint(ks[8], (E,), 0, NPS, dtype=jnp.int32)
    inp['suc_u'] = jax.random.randint(ks[9], (E,), 0, NPS, dtype=jnp.int32)
    inp['suc_v'] = jax.random.randint(ks[10], (E,), 0, NPS, dtype=jnp.int32)
    inp['cu_edges'] = jnp.arange(B + 1, dtype=jnp.int32) * EPS
    return inp

def reference(trajs_flat, pad_flat, cu_agents, feats_flat, ctrs_flat, turn_flat,
              control_flat, intersect_flat, cu_nodes, pre_u, pre_v, suc_u, suc_v, cu_edges):
    # ---- agent_gather: ragged per-scene agent lists pre-concatenated along dim 0 ----
    nA = trajs_flat.shape[0]
    # feats[:, 1:, :] = trajs[:, 1:, :] - trajs[:, :-1, :]; feats[:, 0, :] = 0
    diffs = trajs_flat[:, 1:, :] - trajs_flat[:, :-1, :]
    feats = jnp.concatenate([jnp.zeros((nA, 1, 2), dtype=trajs_flat.dtype), diffs], axis=1)
    agents = jnp.concatenate([feats, pad_flat[..., None]], axis=-1).transpose(0, 2, 1)       # [A, 3, T]
    agent_locs = jnp.concatenate([trajs_flat, pad_flat[..., None]], axis=-1).transpose(0, 2, 1)  # [A, 3, T]
    agent_ctrs = agent_locs[:, :2, -1]                                                        # [A, 2]
    # ---- graph_gather: shift per-scene local lane-graph indices into global node ids ----
    node_offsets = cu_nodes[:-1]
    edge_counts = cu_edges[1:] - cu_edges[:-1]
    off = jnp.repeat(node_offsets, edge_counts, total_repeat_length=pre_u.shape[0])
    pre_u_g = pre_u + off
    pre_v_g = pre_v + off
    suc_u_g = suc_u + off
    suc_v_g = suc_v + off
    # concatenated node features across scenes (feats/turn/control/intersect as in graph_gather)
    node_feats = jnp.concatenate([
        feats_flat, turn_flat, ctrs_flat,
        control_flat[:, None].astype(jnp.float32),
        intersect_flat[:, None].astype(jnp.float32)], axis=-1)                                # [N, 8]
    return (agents, agent_ctrs, node_feats, pre_u_g, pre_v_g, suc_u_g, suc_v_g)

if __name__ == "__main__":
    import jax
    _d = setup_inputs()
    print(jax.jit(kernel)(*tuple(_d.values())))

</pallas_src>

<mosaic_0001>
#map = affine_map<(d0, d1) -> (0)>
module attributes {stable_mosaic.version = 14 : i64} {
  func.func @_sc_edge_body(%arg0: i32, %arg1: i32, %arg2: memref<64000xi32, #tpu.memory_space<hbm>>, %arg3: memref<64000xi32, #tpu.memory_space<hbm>>, %arg4: memref<64000xi32, #tpu.memory_space<hbm>>, %arg5: memref<64000xi32, #tpu.memory_space<hbm>>, %arg6: memref<17xi32, #tpu.memory_space<hbm>>, %arg7: memref<64000xi32, #tpu.memory_space<hbm>>, %arg8: memref<64000xi32, #tpu.memory_space<hbm>>, %arg9: memref<64000xi32, #tpu.memory_space<hbm>>, %arg10: memref<64000xi32, #tpu.memory_space<hbm>>, %arg11: memref<16xi32, #tpu.memory_space<vmem>>, %arg12: memref<4000xi32, #tpu.memory_space<vmem>>) attributes {dimension_semantics = [#tpu.dimension_semantics<core_parallel>, #tpu.dimension_semantics<subcore_parallel>], iteration_bounds = array<i64: 1, 16>, scalar_prefetch = 0 : i64, scratch_operands = 2 : i64, tpu.core_type = #tpu.core_type<sc_vector_subcore>, window_params = [{transform_indices = #map}, {transform_indices = #map}, {transform_indices = #map}, {transform_indices = #map}, {transform_indices = #map}, {transform_indices = #map}, {transform_indices = #map}, {transform_indices = #map}, {transform_indices = #map}]} {
    %mul3A = arith.constant 1 : i32
    %mul3A_0 = arith.muli %arg1, %mul3A : i32
    %add3A = arith.addi %mul3A_0, %arg0 : i32
    %mul3A_1 = arith.constant 4000 : i32
    %mul3A_2 = arith.muli %add3A, %mul3A_1 : i32
    "tpu.region"() ({
      %run_scoped3A = tpu.sem_alloc : memref<!tpu.dma_semaphore, #tpu.memory_space<semaphore_mem>>
      %dma_start3A = arith.constant 0 : i32
      %dma_start3A_52 = tpu.memref_slice %arg6[%dma_start3A] : memref<17xi32, #tpu.memory_space<hbm>> -> memref<16xi32, #tpu.memory_space<hbm>>
      %dma_start3A_53 = arith.constant 0 : i32
      %dma_start3A_54 = tpu.memref_slice %arg6[%dma_start3A_53] : memref<17xi32, #tpu.memory_space<hbm>> -> memref<16xi32, #tpu.memory_space<hbm>>
      tpu.enqueue_dma source(%dma_start3A_54 : memref<16xi32, #tpu.memory_space<hbm>>) target(%arg11 : memref<16xi32, #tpu.memory_space<vmem>>) target_semaphore(%run_scoped3A : memref<!tpu.dma_semaphore, #tpu.memory_space<semaphore_mem>>)
      %dma_wait3A = arith.constant 0 : i32
      %dma_wait3A_55 = tpu.memref_slice %arg6[%dma_wait3A] : memref<17xi32, #tpu.memory_space<hbm>> -> memref<16xi32, #tpu.memory_space<hbm>>
      %dma_wait3A_56 = arith.constant 0 : i32
      %dma_wait3A_57 = tpu.memref_slice %arg6[%dma_wait3A_56] : memref<17xi32, #tpu.memory_space<hbm>> -> memref<16xi32, #tpu.memory_space<hbm>>
      tpu.wait_dma2 semaphore(%run_scoped3A : memref<!tpu.dma_semaphore, #tpu.memory_space<semaphore_mem>>) src(%dma_wait3A_57 : memref<16xi32, #tpu.memory_space<hbm>>) dst(%arg11 : memref<16xi32, #tpu.memory_space<vmem>>)
      tpu.yield
    }) : () -> ()
    %mul3A_3 = arith.constant 4000 : i32
    %mul3A_4 = arith.muli %add3A, %mul3A_3 : i32
    %jit3A = arith.constant 4000 : i32
    %div3A = arith.divsi %mul3A_4, %jit3A : i32
    %sign3A = arith.constant 0 : i32
    %sign3A_5 = arith.cmpi sgt, %mul3A_4, %sign3A : i32
    %sign3A_6 = arith.extui %sign3A_5 : i1 to i32
    %sign3A_7 = arith.constant 0 : i32
    %sign3A_8 = arith.cmpi slt, %mul3A_4, %sign3A_7 : i32
    %sign3A_9 = arith.extui %sign3A_8 : i1 to i32
    %sign3A_10 = arith.subi %sign3A_6, %sign3A_9 : i32
    %sign3A_11 = arith.constant 0 : i32
    %sign3A_12 = arith.cmpi sgt, %jit3A, %sign3A_11 : i32
    %sign3A_13 = arith.extui %sign3A_12 : i1 to i32
    %sign3A_14 = arith.constant 0 : i32
    %sign3A_15 = arith.cmpi slt, %jit3A, %sign3A_14 : i32
    %sign3A_16 = arith.extui %sign3A_15 : i1 to i32
    %sign3A_17 = arith.subi %sign3A_13, %sign3A_16 : i32
    %ne3A = arith.cmpi ne, %sign3A_10, %sign3A_17 : i32
    %rem3A = arith.remsi %mul3A_4, %jit3A : i32
    %ne3A_18 = arith.constant 0 : i32
    %ne3A_19 = arith.cmpi ne, %rem3A, %ne3A_18 : i32
    %and3A = arith.andi %ne3A, %ne3A_19 : i1
    %sub3A = arith.constant 1 : i32
    %sub3A_20 = arith.subi %div3A, %sub3A : i32
    %select_n3A = arith.select %and3A, %sub3A_20, %div3A : i32
    %iota3A = tpu.iota {dimensions = array<i32: 0>} : vector<16xi32>
    %eq3A = vector.broadcast %select_n3A : i32 to vector<16xi32>
    %eq3A_21 = arith.cmpi eq, %iota3A, %eq3A : vector<16xi32>
    %get3A = arith.constant 0 : index
    %get3A_22 = tpu.vector_load %arg11[%get3A] {strides = array<i32>} : memref<16xi32, #tpu.memory_space<vmem>>, vector<16xi32>,
    %jit3A_23 = arith.constant 0 : i32
    %broadcast_in_dim3A = vector.broadcast %jit3A_23 : i32 to vector<16xi32>
    %select_n3A_24 = arith.select %eq3A_21, %get3A_22, %broadcast_in_dim3A : vector<16xi1>, vector<16xi32>
    %reduce_sum3A = arith.constant true
    %reduce_sum3A_25 = vector.broadcast %reduce_sum3A : i1 to vector<16xi1>
    %reduce_sum3A_26 = tpu.scan <sum>, %select_n3A_24 masked %reduce_sum3A_25 : vector<16xi32>, vector<16xi1> -> vector<16xi32>
    %reduce_sum3A_27 = vector.extract %reduce_sum3A_26[15] : i32 from vector<16xi32>
    %broadcast_in_dim3A_28 = vector.broadcast %reduce_sum3A_27 : i32 to vector<16xi32>
    "tpu.region"() ({
      %run_scoped3A = tpu.sem_alloc : memref<!tpu.dma_semaphore, #tpu.memory_space<semaphore_mem>>
      %dma_start3A = tpu.memref_slice %arg2[%mul3A_2] : memref<64000xi32, #tpu.memory_space<hbm>> -> memref<4000xi32, #tpu.memory_space<hbm>>
      %dma_start3A_52 = tpu.memref_slice %arg2[%mul3A_2] : memref<64000xi32, #tpu.memory_space<hbm>> -> memref<4000xi32, #tpu.memory_space<hbm>>
      tpu.enqueue_dma source(%dma_start3A_52 : memref<4000xi32, #tpu.memory_space<hbm>>) target(%arg12 : memref<4000xi32, #tpu.memory_space<vmem>>) target_semaphore(%run_scoped3A : memref<!tpu.dma_semaphore, #tpu.memory_space<semaphore_mem>>)
      %dma_wait3A = tpu.memref_slice %arg2[%mul3A_2] : memref<64000xi32, #tpu.memory_space<hbm>> -> memref<4000xi32, #tpu.memory_space<hbm>>
      %dma_wait3A_53 = tpu.memref_slice %arg2[%mul3A_2] : memref<64000xi32, #tpu.memory_space<hbm>> -> memref<4000xi32, #tpu.memory_space<hbm>>
      tpu.wait_dma2 semaphore(%run_scoped3A : memref<!tpu.dma_semaphore, #tpu.memory_space<semaphore_mem>>) src(%dma_wait3A_53 : memref<4000xi32, #tpu.memory_space<hbm>>) dst(%arg12 : memref<4000xi32, #tpu.memory_space<vmem>>)
      tpu.yield
    }) : () -> ()
    %scan3A = arith.constant 0 : i32
    %scan3A_29 = arith.constant 0 : i32
    %scan3A_30 = arith.constant 250 : i32
    %scan3A_31 = arith.addi %scan3A_29, %scan3A_30 : i32
    %scan3A_32 = arith.constant 1 : i32
    scf.for %scan3A_52 = %scan3A_29 to %scan3A_31 step %scan3A_32  : i32 {
      %mul3A_53 = arith.constant 16 : i32
      %mul3A_54 = arith.muli %scan3A_52, %mul3A_53 : i32
      %get3A_55 = arith.index_cast %mul3A_54 : i32 to index
      %get3A_56 = tpu.vector_load %arg12[%get3A_55] {strides = array<i32>} : memref<4000xi32, #tpu.memory_space<vmem>>, vector<16xi32>,
      %add3A_57 = arith.addi %get3A_56, %broadcast_in_dim3A_28 : vector<16xi32>
      %swap3A = arith.index_cast %mul3A_54 : i32 to index
      %swap3A_58 = tpu.vector_load %arg12[%swap3A] {strides = array<i32>} : memref<4000xi32, #tpu.memory_space<vmem>>, vector<16xi32>,
      tpu.vector_store %arg12[%swap3A], %add3A_57 {strides = array<i32>} : memref<4000xi32, #tpu.memory_space<vmem>>, vector<16xi32>,
    }
    %scan3A_33 = arith.constant 250 : i32
    "tpu.region"() ({
      %run_scoped3A = tpu.sem_alloc : memref<!tpu.dma_semaphore, #tpu.memory_space<semaphore_mem>>
      %dma_start3A = tpu.memref_slice %arg7[%mul3A_2] : memref<64000xi32, #tpu.memory_space<hbm>> -> memref<4000xi32, #tpu.memory_space<hbm>>
      %dma_start3A_52 = tpu.memref_slice %arg7[%mul3A_2] : memref<64000xi32, #tpu.memory_space<hbm>> -> memref<4000xi32, #tpu.memory_space<hbm>>
      tpu.enqueue_dma source(%arg12 : memref<4000xi32, #tpu.memory_space<vmem>>) target(%dma_start3A_52 : memref<4000xi32, #tpu.memory_space<hbm>>) target_semaphore(%run_scoped3A : memref<!tpu.dma_semaphore, #tpu.memory_space<semaphore_mem>>)
      %dma_wait3A = tpu.memref_slice %arg7[%mul3A_2] : memref<64000xi32, #tpu.memory_space<hbm>> -> memref<4000xi32, #tpu.memory_space<hbm>>
      %dma_wait3A_53 = tpu.memref_slice %arg7[%mul3A_2] : memref<64000xi32, #tpu.memory_space<hbm>> -> memref<4000xi32, #tpu.memory_space<hbm>>
      tpu.wait_dma2 semaphore(%run_scoped3A : memref<!tpu.dma_semaphore, #tpu.memory_space<semaphore_mem>>) src(%arg12 : memref<4000xi32, #tpu.memory_space<vmem>>) dst(%dma_wait3A_53 : memref<4000xi32, #tpu.memory_space<hbm>>)
      tpu.yield
    }) : () -> ()
    "tpu.region"() ({
      %run_scoped3A = tpu.sem_alloc : memref<!tpu.dma_semaphore, #tpu.memory_space<semaphore_mem>>
      %dma_start3A = tpu.memref_slice %arg3[%mul3A_2] : memref<64000xi32, #tpu.memory_space<hbm>> -> memref<4000xi32, #tpu.memory_space<hbm>>
      %dma_start3A_52 = tpu.memref_slice %arg3[%mul3A_2] : memref<64000xi32, #tpu.memory_space<hbm>> -> memref<4000xi32, #tpu.memory_space<hbm>>
      tpu.enqueue_dma source(%dma_start3A_52 : memref<4000xi32, #tpu.memory_space<hbm>>) target(%arg12 : memref<4000xi32, #tpu.memory_space<vmem>>) target_semaphore(%run_scoped3A : memref<!tpu.dma_semaphore, #tpu.memory_space<semaphore_mem>>)
      %dma_wait3A = tpu.memref_slice %arg3[%mul3A_2] : memref<64000xi32, #tpu.memory_space<hbm>> -> memref<4000xi32, #tpu.memory_space<hbm>>
      %dma_wait3A_53 = tpu.memref_slice %arg3[%mul3A_2] : memref<64000xi32, #tpu.memory_space<hbm>> -> memref<4000xi32, #tpu.memory_space<hbm>>
      tpu.wait_dma2 semaphore(%run_scoped3A : memref<!tpu.dma_semaphore, #tpu.memory_space<semaphore_mem>>) src(%dma_wait3A_53 : memref<4000xi32, #tpu.memory_space<hbm>>) dst(%arg12 : memref<4000xi32, #tpu.memory_space<vmem>>)
      tpu.yield
    }) : () -> ()
    %scan3A_34 = arith.constant 0 : i32
    %scan3A_35 = arith.constant 0 : i32
    %scan3A_36 = arith.constant 250 : i32
    %scan3A_37 = arith.addi %scan3A_35, %scan3A_36 : i32
    %scan3A_38 = arith.constant 1 : i32
    scf.for %scan3A_52 = %scan3A_35 to %scan3A_37 step %scan3A_38  : i32 {
      %mul3A_53 = arith.constant 16 : i32
      %mul3A_54 = arith.muli %scan3A_52, %mul3A_53 : i32
      %get3A_55 = arith.index_cast %mul3A_54 : i32 to index
      %get3A_56 = tpu.vector_load %arg12[%get3A_55] {strides = array<i32>} : memref<4000xi32, #tpu.memory_space<vmem>>, vector<16xi32>,
      %add3A_57 = arith.addi %get3A_56, %broadcast_in_dim3A_28 : vector<16xi32>
      %swap3A = arith.index_cast %mul3A_54 : i32 to index
      %swap3A_58 = tpu.vector_load %arg12[%swap3A] {strides = array<i32>} : memref<4000xi32, #tpu.memory_space<vmem>>, vector<16xi32>,
      tpu.vector_store %arg12[%swap3A], %add3A_57 {strides = array<i32>} : memref<4000xi32, #tpu.memory_space<vmem>>, vector<16xi32>,
    }
    %scan3A_39 = arith.constant 250 : i32
    "tpu.region"() ({
      %run_scoped3A = tpu.sem_alloc : memref<!tpu.dma_semaphore, #tpu.memory_space<semaphore_mem>>
      %dma_start3A = tpu.memref_slice %arg8[%mul3A_2] : memref<64000xi32, #tpu.memory_space<hbm>> -> memref<4000xi32, #tpu.memory_space<hbm>>
      %dma_start3A_52 = tpu.memref_slice %arg8[%mul3A_2] : memref<64000xi32, #tpu.memory_space<hbm>> -> memref<4000xi32, #tpu.memory_space<hbm>>
      tpu.enqueue_dma source(%arg12 : memref<4000xi32, #tpu.memory_space<vmem>>) target(%dma_start3A_52 : memref<4000xi32, #tpu.memory_space<hbm>>) target_semaphore(%run_scoped3A : memref<!tpu.dma_semaphore, #tpu.memory_space<semaphore_mem>>)
      %dma_wait3A = tpu.memref_slice %arg8[%mul3A_2] : memref<64000xi32, #tpu.memory_space<hbm>> -> memref<4000xi32, #tpu.memory_space<hbm>>
      %dma_wait3A_53 = tpu.memref_slice %arg8[%mul3A_2] : memref<64000xi32, #tpu.memory_space<hbm>> -> memref<4000xi32, #tpu.memory_space<hbm>>
      tpu.wait_dma2 semaphore(%run_scoped3A : memref<!tpu.dma_semaphore, #tpu.memory_space<semaphore_mem>>) src(%arg12 : memref<4000xi32, #tpu.memory_space<vmem>>) dst(%dma_wait3A_53 : memref<4000xi32, #tpu.memory_space<hbm>>)
      tpu.yield
    }) : () -> ()
    "tpu.region"() ({
      %run_scoped3A = tpu.sem_alloc : memref<!tpu.dma_semaphore, #tpu.memory_space<semaphore_mem>>
      %dma_start3A = tpu.memref_slice %arg4[%mul3A_2] : memref<64000xi32, #tpu.memory_space<hbm>> -> memref<4000xi32, #tpu.memory_space<hbm>>
      %dma_start3A_52 = tpu.memref_slice %arg4[%mul3A_2] : memref<64000xi32, #tpu.memory_space<hbm>> -> memref<4000xi32, #tpu.memory_space<hbm>>
      tpu.enqueue_dma source(%dma_start3A_52 : memref<4000xi32, #tpu.memory_space<hbm>>) target(%arg12 : memref<4000xi32, #tpu.memory_space<vmem>>) target_semaphore(%run_scoped3A : memref<!tpu.dma_semaphore, #tpu.memory_space<semaphore_mem>>)
      %dma_wait3A = tpu.memref_slice %arg4[%mul3A_2] : memref<64000xi32, #tpu.memory_space<hbm>> -> memref<4000xi32, #tpu.memory_space<hbm>>
      %dma_wait3A_53 = tpu.memref_slice %arg4[%mul3A_2] : memref<64000xi32, #tpu.memory_space<hbm>> -> memref<4000xi32, #tpu.memory_space<hbm>>
      tpu.wait_dma2 semaphore(%run_scoped3A : memref<!tpu.dma_semaphore, #tpu.memory_space<semaphore_mem>>) src(%dma_wait3A_53 : memref<4000xi32, #tpu.memory_space<hbm>>) dst(%arg12 : memref<4000xi32, #tpu.memory_space<vmem>>)
      tpu.yield
    }) : () -> ()
    %scan3A_40 = arith.constant 0 : i32
    %scan3A_41 = arith.constant 0 : i32
    %scan3A_42 = arith.constant 250 : i32
    %scan3A_43 = arith.addi %scan3A_41, %scan3A_42 : i32
    %scan3A_44 = arith.constant 1 : i32
    scf.for %scan3A_52 = %scan3A_41 to %scan3A_43 step %scan3A_44  : i32 {
      %mul3A_53 = arith.constant 16 : i32
      %mul3A_54 = arith.muli %scan3A_52, %mul3A_53 : i32
      %get3A_55 = arith.index_cast %mul3A_54 : i32 to index
      %get3A_56 = tpu.vector_load %arg12[%get3A_55] {strides = array<i32>} : memref<4000xi32, #tpu.memory_space<vmem>>, vector<16xi32>,
      %add3A_57 = arith.addi %get3A_56, %broadcast_in_dim3A_28 : vector<16xi32>
      %swap3A = arith.index_cast %mul3A_54 : i32 to index
      %swap3A_58 = tpu.vector_load %arg12[%swap3A] {strides = array<i32>} : memref<4000xi32, #tpu.memory_space<vmem>>, vector<16xi32>,
      tpu.vector_store %arg12[%swap3A], %add3A_57 {strides = array<i32>} : memref<4000xi32, #tpu.memory_space<vmem>>, vector<16xi32>,
    }
    %scan3A_45 = arith.constant 250 : i32
    "tpu.region"() ({
      %run_scoped3A = tpu.sem_alloc : memref<!tpu.dma_semaphore, #tpu.memory_space<semaphore_mem>>
      %dma_start3A = tpu.memref_slice %arg9[%mul3A_2] : memref<64000xi32, #tpu.memory_space<hbm>> -> memref<4000xi32, #tpu.memory_space<hbm>>
      %dma_start3A_52 = tpu.memref_slice %arg9[%mul3A_2] : memref<64000xi32, #tpu.memory_space<hbm>> -> memref<4000xi32, #tpu.memory_space<hbm>>
      tpu.enqueue_dma source(%arg12 : memref<4000xi32, #tpu.memory_space<vmem>>) target(%dma_start3A_52 : memref<4000xi32, #tpu.memory_space<hbm>>) target_semaphore(%run_scoped3A : memref<!tpu.dma_semaphore, #tpu.memory_space<semaphore_mem>>)
      %dma_wait3A = tpu.memref_slice %arg9[%mul3A_2] : memref<64000xi32, #tpu.memory_space<hbm>> -> memref<4000xi32, #tpu.memory_space<hbm>>
      %dma_wait3A_53 = tpu.memref_slice %arg9[%mul3A_2] : memref<64000xi32, #tpu.memory_space<hbm>> -> memref<4000xi32, #tpu.memory_space<hbm>>
      tpu.wait_dma2 semaphore(%run_scoped3A : memref<!tpu.dma_semaphore, #tpu.memory_space<semaphore_mem>>) src(%arg12 : memref<4000xi32, #tpu.memory_space<vmem>>) dst(%dma_wait3A_53 : memref<4000xi32, #tpu.memory_space<hbm>>)
      tpu.yield
    }) : () -> ()
    "tpu.region"() ({
      %run_scoped3A = tpu.sem_alloc : memref<!tpu.dma_semaphore, #tpu.memory_space<semaphore_mem>>
      %dma_start3A = tpu.memref_slice %arg5[%mul3A_2] : memref<64000xi32, #tpu.memory_space<hbm>> -> memref<4000xi32, #tpu.memory_space<hbm>>
      %dma_start3A_52 = tpu.memref_slice %arg5[%mul3A_2] : memref<64000xi32, #tpu.memory_space<hbm>> -> memref<4000xi32, #tpu.memory_space<hbm>>
      tpu.enqueue_dma source(%dma_start3A_52 : memref<4000xi32, #tpu.memory_space<hbm>>) target(%arg12 : memref<4000xi32, #tpu.memory_space<vmem>>) target_semaphore(%run_scoped3A : memref<!tpu.dma_semaphore, #tpu.memory_space<semaphore_mem>>)
      %dma_wait3A = tpu.memref_slice %arg5[%mul3A_2] : memref<64000xi32, #tpu.memory_space<hbm>> -> memref<4000xi32, #tpu.memory_space<hbm>>
      %dma_wait3A_53 = tpu.memref_slice %arg5[%mul3A_2] : memref<64000xi32, #tpu.memory_space<hbm>> -> memref<4000xi32, #tpu.memory_space<hbm>>
      tpu.wait_dma2 semaphore(%run_scoped3A : memref<!tpu.dma_semaphore, #tpu.memory_space<semaphore_mem>>) src(%dma_wait3A_53 : memref<4000xi32, #tpu.memory_space<hbm>>) dst(%arg12 : memref<4000xi32, #tpu.memory_space<vmem>>)
      tpu.yield
    }) : () -> ()
    %scan3A_46 = arith.constant 0 : i32
    %scan3A_47 = arith.constant 0 : i32
    %scan3A_48 = arith.constant 250 : i32
    %scan3A_49 = arith.addi %scan3A_47, %scan3A_48 : i32
    %scan3A_50 = arith.constant 1 : i32
    scf.for %scan3A_52 = %scan3A_47 to %scan3A_49 step %scan3A_50  : i32 {
      %mul3A_53 = arith.constant 16 : i32
      %mul3A_54 = arith.muli %scan3A_52, %mul3A_53 : i32
      %get3A_55 = arith.index_cast %mul3A_54 : i32 to index
      %get3A_56 = tpu.vector_load %arg12[%get3A_55] {strides = array<i32>} : memref<4000xi32, #tpu.memory_space<vmem>>, vector<16xi32>,
      %add3A_57 = arith.addi %get3A_56, %broadcast_in_dim3A_28 : vector<16xi32>
      %swap3A = arith.index_cast %mul3A_54 : i32 to index
      %swap3A_58 = tpu.vector_load %arg12[%swap3A] {strides = array<i32>} : memref<4000xi32, #tpu.memory_space<vmem>>, vector<16xi32>,
      tpu.vector_store %arg12[%swap3A], %add3A_57 {strides = array<i32>} : memref<4000xi32, #tpu.memory_space<vmem>>, vector<16xi32>,
    }
    %scan3A_51 = arith.constant 250 : i32
    "tpu.region"() ({
      %run_scoped3A = tpu.sem_alloc : memref<!tpu.dma_semaphore, #tpu.memory_space<semaphore_mem>>
      %dma_start3A = tpu.memref_slice %arg10[%mul3A_2] : memref<64000xi32, #tpu.memory_space<hbm>> -> memref<4000xi32, #tpu.memory_space<hbm>>
      %dma_start3A_52 = tpu.memref_slice %arg10[%mul3A_2] : memref<64000xi32, #tpu.memory_space<hbm>> -> memref<4000xi32, #tpu.memory_space<hbm>>
      tpu.enqueue_dma source(%arg12 : memref<4000xi32, #tpu.memory_space<vmem>>) target(%dma_start3A_52 : memref<4000xi32, #tpu.memory_space<hbm>>) target_semaphore(%run_scoped3A : memref<!tpu.dma_semaphore, #tpu.memory_space<semaphore_mem>>)
      %dma_wait3A = tpu.memref_slice %arg10[%mul3A_2] : memref<64000xi32, #tpu.memory_space<hbm>> -> memref<4000xi32, #tpu.memory_space<hbm>>
      %dma_wait3A_53 = tpu.memref_slice %arg10[%mul3A_2] : memref<64000xi32, #tpu.memory_space<hbm>> -> memref<4000xi32, #tpu.memory_space<hbm>>
      tpu.wait_dma2 semaphore(%run_scoped3A : memref<!tpu.dma_semaphore, #tpu.memory_space<semaphore_mem>>) src(%arg12 : memref<4000xi32, #tpu.memory_space<vmem>>) dst(%dma_wait3A_53 : memref<4000xi32, #tpu.memory_space<hbm>>)
      tpu.yield
    }) : () -> ()
    return
  }
}

module attributes {stable_mosaic.version = 14 : i64} {
  func.func @_body(%arg0: i32, %arg1: memref<50x2x2048xf32, #tpu.memory_space<vmem>>, %arg2: memref<50x2048xf32, #tpu.memory_space<vmem>>, %arg3: memref<2x64000xf32, #tpu.memory_space<vmem>>, %arg4: memref<2x64000xf32, #tpu.memory_space<vmem>>, %arg5: memref<2x64000xf32, #tpu.memory_space<vmem>>, %arg6: memref<64000xi32, #tpu.memory_space<vmem>>, %arg7: memref<64000xi32, #tpu.memory_space<vmem>>, %arg8: memref<3x50x2048xf32, #tpu.memory_space<vmem>>, %arg9: memref<2x2048xf32, #tpu.memory_space<vmem>>, %arg10: memref<8x64000xf32, #tpu.memory_space<vmem>>) attributes {dimension_semantics = [#tpu.dimension_semantics<arbitrary>], iteration_bounds = array<i64: 8>, scalar_prefetch = 0 : i64, scratch_operands = 0 : i64, tpu.core_type = #tpu.core_type<tc>, window_params = [{transform_indices = @transform_0, window_bounds = array<i64: 50, 2, 2048>}, {transform_indices = @transform_1, window_bounds = array<i64: 50, 2048>}, {pipeline_mode = #tpu.pipeline_mode<synchronous>, transform_indices = @transform_2, window_bounds = array<i64: 2, 64000>}, {pipeline_mode = #tpu.pipeline_mode<synchronous>, transform_indices = @transform_3, window_bounds = array<i64: 2, 64000>}, {pipeline_mode = #tpu.pipeline_mode<synchronous>, transform_indices = @transform_4, window_bounds = array<i64: 2, 64000>}, {pipeline_mode = #tpu.pipeline_mode<synchronous>, transform_indices = @transform_5, window_bounds = array<i64: 64000>}, {pipeline_mode = #tpu.pipeline_mode<synchronous>, transform_indices = @transform_6, window_bounds = array<i64: 64000>}, {transform_indices = @transform_7, window_bounds = array<i64: 3, 50, 2048>}, {transform_indices = @transform_8, window_bounds = array<i64: 2, 2048>}, {pipeline_mode = #tpu.pipeline_mode<synchronous>, transform_indices = @transform_9, window_bounds = array<i64: 8, 64000>}]} {
    %get3A = arith.constant 0 : index
    %get3A_0 = arith.constant 0 : index
    %get3A_1 = arith.constant 0 : index
    %get3A_2 = vector.load %arg1[%get3A, %get3A_0, %get3A_1] : memref<50x2x2048xf32, #tpu.memory_space<vmem>>, vector<50x1x2048xf32>
    %get3A_3 = vector.shape_cast %get3A_2 : vector<50x1x2048xf32> to vector<50x2048xf32>
    %get3A_4 = arith.constant 0 : index
    %get3A_5 = arith.constant 1 : index
    %get3A_6 = arith.constant 0 : index
    %get3A_7 = vector.load %arg1[%get3A_4, %get3A_5, %get3A_6] : memref<50x2x2048xf32, #tpu.memory_space<vmem>>, vector<50x1x2048xf32>
    %get3A_8 = vector.shape_cast %get3A_7 : vector<50x1x2048xf32> to vector<50x2048xf32>
    %iota3A = tpu.iota {dimensions = array<i32: 0>} : vector<50x50xi32>
    %iota3A_9 = tpu.iota {dimensions = array<i32: 1>} : vector<50x50xi32>
    %eq3A = arith.cmpi eq, %iota3A_9, %iota3A : vector<50x50xi32>
    %ge3A = arith.constant 1 : i32
    %ge3A_10 = vector.broadcast %ge3A : i32 to vector<50x50xi32>
    %ge3A_11 = arith.cmpi sge, %iota3A, %ge3A_10 : vector<50x50xi32>
    %and3A = arith.andi %eq3A, %ge3A_11 : vector<50x50xi1>
    %sub3A = arith.constant 1 : i32
    %sub3A_12 = vector.broadcast %sub3A : i32 to vector<50x50xi32>
    %sub3A_13 = arith.subi %iota3A, %sub3A_12 : vector<50x50xi32>
    %eq3A_14 = arith.cmpi eq, %iota3A_9, %sub3A_13 : vector<50x50xi32>
    %ge3A_15 = arith.constant 1 : i32
    %ge3A_16 = vector.broadcast %ge3A_15 : i32 to vector<50x50xi32>
    %ge3A_17 = arith.cmpi sge, %iota3A, %ge3A_16 : vector<50x50xi32>
    %and3A_18 = arith.andi %eq3A_14, %ge3A_17 : vector<50x50xi1>
    %convert_element_type3A = arith.extui %and3A : vector<50x50xi1> to vector<50x50xi32>
    %convert_element_type3A_19 = arith.sitofp %convert_element_type3A : vector<50x50xi32> to vector<50x50xf32>
    %convert_element_type3A_20 = arith.extui %and3A_18 : vector<50x50xi1> to vector<50x50xi32>
    %convert_element_type3A_21 = arith.sitofp %convert_element_type3A_20 : vector<50x50xi32> to vector<50x50xf32>
    %sub3A_22 = arith.subf %convert_element_type3A_19, %convert_element_type3A_21 : vector<50x50xf32>
    %dot_general3A = arith.constant dense<0.000000e+00> : vector<50x2048xf32>
    %dot_general3A_23 = tpu.matmul %sub3A_22, %get3A_3, %dot_general3A {dimension_numbers = #tpu.dot_dimension_numbers<[1], [0], [0], [1], [0, 0, 1, 1], [], []>, precision = #tpu.contract_precision<fp32>, transpose_lhs_hint = false} : vector<50x50xf32>, vector<50x2048xf32>, vector<50x2048xf32> -> vector<50x2048xf32>
    %swap3A = arith.constant 0 : index
    %swap3A_24 = arith.constant 0 : index
    %swap3A_25 = arith.constant 0 : index
    %swap3A_26 = vector.load %arg8[%swap3A, %swap3A_24, %swap3A_25] : memref<3x50x2048xf32, #tpu.memory_space<vmem>>, vector<1x50x2048xf32>
    %swap3A_27 = vector.shape_cast %swap3A_26 : vector<1x50x2048xf32> to vector<50x2048xf32>
    %swap3A_28 = vector.shape_cast %dot_general3A_23 : vector<50x2048xf32> to vector<1x50x2048xf32>
    tpu.vector_store %arg8[%swap3A, %swap3A_24, %swap3A_25], %swap3A_28 {strides = array<i32>} : memref<3x50x2048xf32, #tpu.memory_space<vmem>>, vector<1x50x2048xf32>,
    %dot_general3A_29 = arith.constant dense<0.000000e+00> : vector<50x2048xf32>
    %dot_general3A_30 = tpu.matmul %sub3A_22, %get3A_8, %dot_general3A_29 {dimension_numbers = #tpu.dot_dimension_numbers<[1], [0], [0], [1], [0, 0, 1, 1], [], []>, precision = #tpu.contract_precision<fp32>, transpose_lhs_hint = false} : vector<50x50xf32>, vector<50x2048xf32>, vector<50x2048xf32> -> vector<50x2048xf32>
    %swap3A_31 = arith.constant 1 : index
    %swap3A_32 = arith.constant 0 : index
    %swap3A_33 = arith.constant 0 : index
    %swap3A_34 = vector.load %arg8[%swap3A_31, %swap3A_32, %swap3A_33] : memref<3x50x2048xf32, #tpu.memory_space<vmem>>, vector<1x50x2048xf32>
    %swap3A_35 = vector.shape_cast %swap3A_34 : vector<1x50x2048xf32> to vector<50x2048xf32>
    %swap3A_36 = vector.shape_cast %dot_general3A_30 : vector<50x2048xf32> to vector<1x50x2048xf32>
    tpu.vector_store %arg8[%swap3A_31, %swap3A_32, %swap3A_33], %swap3A_36 {strides = array<i32>} : memref<3x50x2048xf32, #tpu.memory_space<vmem>>, vector<1x50x2048xf32>,
    %get3A_37 = arith.constant 0 : index
    %get3A_38 = arith.constant 0 : index
    %get3A_39 = vector.load %arg2[%get3A_37, %get3A_38] : memref<50x2048xf32, #tpu.memory_space<vmem>>, vector<50x2048xf32>
    %swap3A_40 = arith.constant 2 : index
    %swap3A_41 = arith.constant 0 : index
    %swap3A_42 = arith.constant 0 : index
    %swap3A_43 = vector.load %arg8[%swap3A_40, %swap3A_41, %swap3A_42] : memref<3x50x2048xf32, #tpu.memory_space<vmem>>, vector<1x50x2048xf32>
    %swap3A_44 = vector.shape_cast %swap3A_43 : vector<1x50x2048xf32> to vector<50x2048xf32>
    %swap3A_45 = vector.shape_cast %get3A_39 : vector<50x2048xf32> to vector<1x50x2048xf32>
    tpu.vector_store %arg8[%swap3A_40, %swap3A_41, %swap3A_42], %swap3A_45 {strides = array<i32>} : memref<3x50x2048xf32, #tpu.memory_space<vmem>>, vector<1x50x2048xf32>,
    %slice3A = vector.extract_strided_slice %get3A_3 {offsets = [49, 0], sizes = [1, 2048], strides = [1, 1]} : vector<50x2048xf32> to vector<1x2048xf32>
    %swap3A_46 = arith.constant 0 : index
    %swap3A_47 = arith.constant 0 : index
    %swap3A_48 = vector.load %arg9[%swap3A_46, %swap3A_47] : memref<2x2048xf32, #tpu.memory_space<vmem>>, vector<1x2048xf32>
    tpu.vector_store %arg9[%swap3A_46, %swap3A_47], %slice3A {strides = array<i32>} : memref<2x2048xf32, #tpu.memory_space<vmem>>, vector<1x2048xf32>,
    %slice3A_49 = vector.extract_strided_slice %get3A_8 {offsets = [49, 0], sizes = [1, 2048], strides = [1, 1]} : vector<50x2048xf32> to vector<1x2048xf32>
    %swap3A_50 = arith.constant 1 : index
    %swap3A_51 = arith.constant 0 : index
    %swap3A_52 = vector.load %arg9[%swap3A_50, %swap3A_51] : memref<2x2048xf32, #tpu.memory_space<vmem>>, vector<1x2048xf32>
    tpu.vector_store %arg9[%swap3A_50, %swap3A_51], %slice3A_49 {strides = array<i32>} : memref<2x2048xf32, #tpu.memory_space<vmem>>, vector<1x2048xf32>,
    %eq3A_53 = arith.constant 0 : i32
    %eq3A_54 = arith.cmpi eq, %arg0, %eq3A_53 : i32
    %convert_element_type3A_55 = arith.extui %eq3A_54 : i1 to i32
    %cond3A = arith.constant 0 : i32
    %cond3A_56 = arith.cmpi ne, %convert_element_type3A_55, %cond3A : i32
    scf.if %cond3A_56 {
      %get3A_57 = arith.constant 0 : index
      %get3A_58 = arith.constant 0 : index
      %get3A_59 = vector.load %arg3[%get3A_57, %get3A_58] : memref<2x64000xf32, #tpu.memory_space<vmem>>, vector<2x64000xf32>
      %swap3A_60 = arith.constant 0 : index
      %swap3A_61 = arith.constant 0 : index
      %swap3A_62 = vector.load %arg10[%swap3A_60, %swap3A_61] : memref<8x64000xf32, #tpu.memory_space<vmem>>, vector<2x64000xf32>
      tpu.vector_store %arg10[%swap3A_60, %swap3A_61], %get3A_59 {strides = array<i32>} : memref<8x64000xf32, #tpu.memory_space<vmem>>, vector<2x64000xf32>,
      %get3A_63 = arith.constant 0 : index
      %get3A_64 = arith.constant 0 : index
      %get3A_65 = vector.load %arg4[%get3A_63, %get3A_64] : memref<2x64000xf32, #tpu.memory_space<vmem>>, vector<2x64000xf32>
      %swap3A_66 = arith.constant 2 : index
      %swap3A_67 = arith.constant 0 : index
      %swap3A_68 = vector.load %arg10[%swap3A_66, %swap3A_67] : memref<8x64000xf32, #tpu.memory_space<vmem>>, vector<2x64000xf32>
      tpu.vector_store %arg10[%swap3A_66, %swap3A_67], %get3A_65 {strides = array<i32>} : memref<8x64000xf32, #tpu.memory_space<vmem>>, vector<2x64000xf32>,
      %get3A_69 = arith.constant 0 : index
      %get3A_70 = arith.constant 0 : index
      %get3A_71 = vector.load %arg5[%get3A_69, %get3A_70] : memref<2x64000xf32, #tpu.memory_space<vmem>>, vector<2x64000xf32>
      %swap3A_72 = arith.constant 4 : index
      %swap3A_73 = arith.constant 0 : index
      %swap3A_74 = vector.load %arg10[%swap3A_72, %swap3A_73] : memref<8x64000xf32, #tpu.memory_space<vmem>>, vector<2x64000xf32>
      tpu.vector_store %arg10[%swap3A_72, %swap3A_73], %get3A_71 {strides = array<i32>} : memref<8x64000xf32, #tpu.memory_space<vmem>>, vector<2x64000xf32>,
      %get3A_75 = arith.constant 0 : index
      %get3A_76 = vector.load %arg6[%get3A_75] : memref<64000xi32, #tpu.memory_space<vmem>>, vector<64000xi32>
      %convert_element_type3A_77 = arith.sitofp %get3A_76 : vector<64000xi32> to vector<64000xf32>
      %reshape3A = vector.shape_cast %convert_element_type3A_77 : vector<64000xf32> to vector<1x64000xf32>
      %swap3A_78 = arith.constant 6 : index
      %swap3A_79 = arith.constant 0 : index
      %swap3A_80 = vector.load %arg10[%swap3A_78, %swap3A_79] : memref<8x64000xf32, #tpu.memory_space<vmem>>, vector<1x64000xf32>
      tpu.vector_store %arg10[%swap3A_78, %swap3A_79], %reshape3A {strides = array<i32>} : memref<8x64000xf32, #tpu.memory_space<vmem>>, vector<1x64000xf32>,
      %get3A_81 = arith.constant 0 : index
      %get3A_82 = vector.load %arg7[%get3A_81] : memref<64000xi32, #tpu.memory_space<vmem>>, vector<64000xi32>
      %convert_element_type3A_83 = arith.sitofp %get3A_82 : vector<64000xi32> to vector<64000xf32>
      %reshape3A_84 = vector.shape_cast %convert_element_type3A_83 : vector<64000xf32> to vector<1x64000xf32>
      %swap3A_85 = arith.constant 7 : index
      %swap3A_86 = arith.constant 0 : index
      %swap3A_87 = vector.load %arg10[%swap3A_85, %swap3A_86] : memref<8x64000xf32, #tpu.memory_space<vmem>>, vector<1x64000xf32>
      tpu.vector_store %arg10[%swap3A_85, %swap3A_86], %reshape3A_84 {strides = array<i32>} : memref<8x64000xf32, #tpu.memory_space<vmem>>, vector<1x64000xf32>,
    } else {
    }
    return
  }
  func.func @transform_0(%arg0: i32) -> (i32, i32, i32) {
    %c0_i32 = arith.constant 0 : i32
    %c0_i32_0 = arith.constant 0 : i32
    %c0_i32_1 = arith.constant 0 : i32
    return %c0_i32, %c0_i32_0, %arg0 : i32, i32, i32
  }
  func.func @transform_1(%arg0: i32) -> (i32, i32) {
    %c0_i32 = arith.constant 0 : i32
    %c0_i32_0 = arith.constant 0 : i32
    return %c0_i32, %arg0 : i32, i32
  }
  func.func @transform_2(%arg0: i32) -> (i32, i32) {
    %c0_i32 = arith.constant 0 : i32
    %c0_i32_0 = arith.constant 0 : i32
    %c0_i32_1 = arith.constant 0 : i32
    return %c0_i32, %c0_i32_0 : i32, i32
  }
  func.func @transform_3(%arg0: i32) -> (i32, i32) {
    %c0_i32 = arith.constant 0 : i32
    %c0_i32_0 = arith.constant 0 : i32
    %c0_i32_1 = arith.constant 0 : i32
    return %c0_i32, %c0_i32_0 : i32, i32
  }
  func.func @transform_4(%arg0: i32) -> (i32, i32) {
    %c0_i32 = arith.constant 0 : i32
    %c0_i32_0 = arith.constant 0 : i32
    %c0_i32_1 = arith.constant 0 : i32
    return %c0_i32, %c0_i32_0 : i32, i32
  }
  func.func @transform_5(%arg0: i32) -> i32 {
    %c0_i32 = arith.constant 0 : i32
    %c0_i32_0 = arith.constant 0 : i32
    return %c0_i32 : i32
  }
  func.func @transform_6(%arg0: i32) -> i32 {
    %c0_i32 = arith.constant 0 : i32
    %c0_i32_0 = arith.constant 0 : i32
    return %c0_i32 : i32
  }
  func.func @transform_7(%arg0: i32) -> (i32, i32, i32) {
    %c0_i32 = arith.constant 0 : i32
    %c0_i32_0 = arith.constant 0 : i32
    %c0_i32_1 = arith.constant 0 : i32
    return %c0_i32, %c0_i32_0, %arg0 : i32, i32, i32
  }
  func.func @transform_8(%arg0: i32) -> (i32, i32) {
    %c0_i32 = arith.constant 0 : i32
    %c0_i32_0 = arith.constant 0 : i32
    return %c0_i32, %arg0 : i32, i32
  }
  func.func @transform_9(%arg0: i32) -> (i32, i32) {
    %c0_i32 = arith.constant 0 : i32
    %c0_i32_0 = arith.constant 0 : i32
    %c0_i32_1 = arith.constant 0 : i32
    return %c0_i32, %c0_i32_0 : i32, i32
  }
}

</mosaic_0001>

<sc_bundles>
// kernel: kernel.4.cloned.1.call-start
scs
__scs_entry_jumppad:
0x0: {  	(pc) =	sbr.rel $0x88, $3  }
0x1: {  	(tag) =	ssettag $0x0;
	lr =	simm.s32 $0x1  }
0x2: {  	[smem:$0x3F95] =	sst lr;
	_ =	strace $0xD0000000  }
0x3: {  	_ = 	snop  }
0x4: {  	_ = 	snop  }
0x5: {  	_ = 	snop  }
0x6: {  	_ = 	snop  }
0x7: {  	_ = 	snop  }
__scs_overlays_trampoline_lowered:
0x8: {  	[smem:$0x3FA4] =	sst s0  }
0x9: {  	[smem:$0x3FA5] =	sst s1  }
0xa: {  	[smem:$0x3FA6] =	sst s2  }
0xb: {  	[smem:$0x3FA7] =	sst s3  }
0xc: {  	[smem:$0x3FA8] =	sst s4  }
0xd: {  	[smem:$0x3FA9] =	sst s5  }
0xe: {  	[smem:$0x3FAA] =	sst s6  }
0xf: {  	[smem:$0x3FAB] =	sst s7  }
0x10: {  	[smem:$0x3FAC] =	sst s8  }
0x11: {  	[smem:$0x3FAD] =	sst s9;
	s0 =	simm.s32 @!p0 $0x0  }
0x12: {  	s1 =	sld [smem:$0x3F93];
	s0 =	simm.s32 @p0 $0x1  }
0x13: {  	[smem:$0x3FAE] =	sst s0;
	s0 =	simm.s32 @!p1 $0x0  }
0x14: {  	s2 =	sld [smem:$0x3F92];
	s0 =	simm.s32 @p1 $0x1  }
0x15: {  	[smem:$0x3FAF] =	sst s0;
	s0 =	simm.s32 @!p2 $0x0  }
0x16: {  	s3 =	sld [smem:$0x3FDB];
	s0 =	simm.s32 @p2 $0x1  }
0x17: {  	s4 =	simm.s32 $0x1BF5;
	[smem:$0x3FB1] =	sst s0  }
0x18: {  	s0 =	sld [smem:$0x3F94];
	_ =	swait.ge [sflag:s4], $0x0  }
0x19: {  	s7 =	sld [smem:$0x3F95]  }
0x1a: {  	s8 =	sadd.s32 $0xFFFFE003, lr  }
0x1b: {  	s9 =	sadd.s32 $0xFFFFFEF7, lr;
	s5 =	simm.s32 $0xFFFFFFFF;
	p2 =	slt.u32 s8, $0xFFFFF086  }
0x1c: {  	p1 =	slt.u32 s9, $0xF7A;
	s5 =	simm.s32 @!p2 $0x0  }
0x1d: {  	s5 =	simm.s32 @p1 $0x1;
	p0 =	seq.s32 s7, s2  }
0x1e: {  	s7 =	smul.u32 @!p0 $0xF7A, s2;
	p2 =	seq.s32 @!p0 s5, $0x0  }
0x1f: {  	s9 =	smul.u32 $0xF7A, s1;
	s8 =	simm.s32 @!p0 $0x1BF5;
	p2 =	por !p2, p0  }
0x20: {  	[sflag:s8] =	ssyncset.s32 @!p0 $0xFFFFF086;
	s6 =	sadd.s32 @!p0 s3, s7;
	s7 =	simm.s32 @!p0 $0x108  }
0x21: {  	s3 =	sadd.s32 s3, s9;
	s6 =	sadd.s32 @!p0 $0x88, s6;
	s7 =	simm.s32 @p2 $0x1082  }
0x22: {  	[simem:s7], [sflag:s8] =	dma.local @!p0 [hbm:s6], $0xF7A  }
0x23: {  	s9 =	sor.u32 $0xD0000000, s2;
	s6 =	simm.s32 $0x108;
	_ =	swait.ge @!p0 [sflag:s8], $0x0  }
0x24: {  	s3 =	sadd.s32 $0x88, s3;
	s6 =	simm.s32 @!p1 $0x1082;
	[sflag:s4] =	ssyncset.s32 $0xFFFFF086  }
0x25: {  	[simem:s6], [sflag:s4] =	dma.local [hbm:s3], $0xF7A  }
0x26: {  	[smem:$0x3F95] =	sst s1;
	(tag) =	ssettag s2;
	_ =	strace s9  }
0x27: {  	s1 =	sld [smem:$0x3FA5]  }
0x28: {  	s2 =	sld [smem:$0x3FA6]  }
0x29: {  	s4 =	sld [smem:$0x3FA8]  }
0x2a: {  	p0 =	seq.s32 s5, $0x0;
	s5 =	sld [smem:$0x3FA9]  }
0x2b: {  	s6 =	sld [smem:$0x3FAA]  }
0x2c: {  	s7 =	sld [smem:$0x3FAB]  }
0x2d: {  	s3 =	simm.s32 $0x108;
	s8 =	sld [smem:$0x3FAC]  }
0x2e: {  	s3 =	simm.s32 @!p0 $0x1082;
	s9 =	sld [smem:$0x3FAD]  }
0x2f: {  	lr =	sadd.s32 s0, s3;
	s0 =	sld [smem:$0x3FA4]  }
0x30: {  	s3 =	sld [smem:$0x3FA7]  }
0x31: {  	[smem:$0x3FB0] =	sst s10  }
0x32: {  	s10 =	sld [smem:$0x3FAE];
	_ =	sdelay $0x3  }
0x33: {  	p0 =	seq.s32 s10, $0x1;
	s10 =	sld [smem:$0x3FB0];
	_ =	sdelay $0x3  }
0x34: {  	[smem:$0x3FB0] =	sst s10  }
0x35: {  	s10 =	sld [smem:$0x3FAF];
	_ =	sdelay $0x3  }
0x36: {  	p1 =	seq.s32 s10, $0x1;
	s10 =	sld [smem:$0x3FB0];
	_ =	sdelay $0x3  }
0x37: {  	[smem:$0x3FB0] =	sst s10  }
0x38: {  	s10 =	sld [smem:$0x3FB1]  }
0x39: {  	_ = 	snop;
	(pc) =	sbr.ind lr, $3  }
0x3a: {  	_ = 	snop  }
0x3b: {  	_ = 	snop  }
0x3c: {  	p2 =	seq.s32 s10, $0x1;
	s10 =	sld [smem:$0x3FB0]  }
0x3d: {  	_ =	shalt  }
0x3e: {  	_ =	shalt  }
0x3f: {  	_ =	shalt  }
0x40: {  	_ =	shalt  }
0x41: {  	_ =	shalt  }
0x42: {  	_ =	shalt  }
0x43: {  	_ =	shalt  }
0x44: {  	_ =	shalt  }
0x45: {  	_ =	shalt  }
0x46: {  	_ =	shalt  }
0x47: {  	_ =	shalt  }
0x48: {  	_ =	shalt  }
0x49: {  	_ =	shalt  }
0x4a: {  	_ =	shalt  }
0x4b: {  	_ =	shalt  }
0x4c: {  	_ =	shalt  }
0x4d: {  	_ =	shalt  }
0x4e: {  	_ =	shalt  }
0x4f: {  	_ =	shalt  }
0x50: {  	_ =	shalt  }
0x51: {  	_ =	shalt  }
0x52: {  	_ =	shalt  }
0x53: {  	_ =	shalt  }
0x54: {  	_ =	shalt  }
0x55: {  	_ =	shalt  }
0x56: {  	_ =	shalt  }
0x57: {  	_ =	shalt  }
0x58: {  	_ =	shalt  }
0x59: {  	_ =	shalt  }
0x5a: {  	_ =	shalt  }
0x5b: {  	_ =	shalt  }
0x5c: {  	_ =	shalt  }
0x5d: {  	_ =	shalt  }
0x5e: {  	_ =	shalt  }
0x5f: {  	_ =	shalt  }
0x60: {  	_ =	shalt  }
0x61: {  	_ =	shalt  }
0x62: {  	_ =	shalt  }
0x63: {  	_ =	shalt  }
0x64: {  	_ =	shalt  }
0x65: {  	_ =	shalt  }
0x66: {  	_ =	shalt  }
0x67: {  	_ =	shalt  }
0x68: {  	_ =	shalt  }
0x69: {  	_ =	shalt  }
0x6a: {  	_ =	shalt  }
0x6b: {  	_ =	shalt  }
0x6c: {  	_ =	shalt  }
0x6d: {  	_ =	shalt  }
0x6e: {  	_ =	shalt  }
0x6f: {  	_ =	shalt  }
0x70: {  	_ =	shalt  }
0x71: {  	_ =	shalt  }
0x72: {  	_ =	shalt  }
0x73: {  	_ =	shalt  }
0x74: {  	_ =	shalt  }
0x75: {  	_ =	shalt  }
0x76: {  	_ =	shalt  }
0x77: {  	_ =	shalt  }
0x78: {  	_ =	shalt  }
0x79: {  	_ =	shalt  }
0x7a: {  	_ =	shalt  }
0x7b: {  	_ =	shalt  }
0x7c: {  	_ =	shalt  }
0x7d: {  	_ =	shalt  }
0x7e: {  	_ =	shalt  }
0x7f: {  	_ =	shalt  }
0x80: {  	_ =	shalt  }
0x81: {  	_ =	shalt  }
0x82: {  	_ =	shalt  }
0x83: {  	_ =	shalt  }
0x84: {  	_ =	shalt  }
0x85: {  	_ =	shalt  }
0x86: {  	_ =	shalt  }
0x87: {  	_ =	shalt  }
.Lfunc_end0:
.L_simem_size_0:
called_computation_lowered:
.L_overlay_start_0:
0x88: {  	s0 =	sld [smem:$0x3FD9]  }
0x89: {  	s1 =	sld [smem:$0x3FFE];
	_ =	sdelay $0x3  }
0x8a: {  	s0 =	sadd.s32 s1, s0  }
0x8b: {  	[smem:$0x3FBC] =	sst s0  }
0x8c: {  	_ = 	snop  }
0x8d: {  	s0 =	sld [smem:$0x3FC2]  }
0x8e: {  	s14 =	sld [smem:$0x3FC1]  }
0x8f: {  	s2 =	sld [smem:$0x3FD0]  }
0x90: {  	s3 =	sld [smem:$0x3FC0]  }
0x91: {  	s4 =	sld [smem:$0x3FBF]  }
0x92: {  	s6 =	simm.s32 $0xA;
	s7 =	simm.s32 $0x10;
	s5 =	sld [smem:$0x3FBE]  }
0x93: {  	[smem:s7], [sflag:s6] =	dma.local [hbm:s2], $0x1  }
0x94: {  	_ =	swait.eq [sflag:s6], $0x1  }
0x95: {  	s15 =	sld [smem:$0x13]  }
0x96: {  	s16 =	sld [smem:$0x14];
	[sflag:s6] =	ssyncset.done $0x0  }
0x97: {  	s8 =	sld [smem:$0x15];
	[sflag:s6] =	ssyncadd.s32 $0xFFFFFFFF  }
0x98: {  	s17 =	sld [smem:$0x16];
	(tm) =	ssettm $0x1  }
0x99: {  	s9 =	sld [smem:$0x3FFB];
	_ =	sdelay $0x3  }
0x9a: {  	_ =	strace s9  }
0x9b: {  	s9 =	sld [smem:$0x3FFC];
	_ =	sdelay $0x3  }
0x9c: {  	_ =	strace s9  }
0x9d: {  	s9 =	sld [smem:$0x3FFD];
	_ =	sdelay $0x3  }
0x9e: {  	_ =	strace s9  }
0x9f: {  	_ =	strace $0x8FFFFFFF  }
0xa0: {  	s18 =	sld [smem:$0x3FDB];
	_ =	sdelay $0x1  }
0xa1: {  	s10 =	simm.s32 $_scs_section_size  }
0xa2: {  	s11 =	simm.s32 $_size__tile_overlayer_lowered;
	s12 =	simm.s32 $_tile_overlayer_lowered  }
0xa3: {  	s21 =	simm.s32 $0x1BFF;
	s20 =	sshll.u32 s12, $0x1;
	s9 =	sadd.s32 s10, s18  }
0xa4: {  	s13 =	simm.s32 $0x0;
	s19 =	sshll.u32 s11, $0x1;
	s11 =	sadd.s32 s20, s9  }
0xa5: {  	[timem:s13], [sflag:s21] =	dma.local [hbm:s11], s19  }
0xa6: {  	_ =	swait.ge [sflag:s21], s19  }
0xa7: {  	s10 =	ssub.s32 $0x0, s19;
	[sflag:s21] =	ssyncset.done $0x0  }
0xa8: {  	[sflag:s21] =	ssyncadd.s32 s10;
	_ =	sdelay $0x1  }
0xa9: {  	s22 =	simm.s32 $0x1B8B  }
0xaa: {  	_ =	swait.ge [sflag:s22], $0x1  }
0xab: {  	[sflag:s22] =	ssyncset.done $0x0  }
0xac: {  	s23 =	simm.s32 $0x1B8E;
	[sflag:s22] =	ssyncadd.s32 $0xFFFFFFFF  }
0xad: {  	s24 =	simm.s32 $execute0_lowered;
	[smem:$0x3FD2] =	sst s23  }
0xae: {  	s10 =	sshll.u32 s24, $0x1;
	_ =	strace $0x80000046;
	[dreg:$0x1] =	wrdreg $0xFFFFFFFF  }
0xaf: {  	s25 =	simm.s32 $_size_execute0_lowered;
	s9 =	sadd.s32 s9, s10;
	[dreg:$0x0] =	wrdreg $0x0  }
0xb0: {  	s10 =	sshll.u32 s25, $0x1;
	[dreg:$0x2] =	wrdreg s9  }
0xb1: {  	[dreg:$0x3] =	wrdreg s10  }
0xb2: {  	[dreg:$0x4] =	wrdreg $0xC0  }
0xb3: {  	_ =	task [dreg:s13], $0x5FFFF  }
0xb4: {  	[dreg:$0x1] =	wrdreg $0xFFFFFFFF  }
0xb5: {  	[dreg:$0x0] =	wrdreg $0x60  }
0xb6: {  	[dreg:$0x2] =	wrdreg s14  }
0xb7: {  	[dreg:$0x3] =	wrdreg s3  }
0xb8: {  	[dreg:$0x4] =	wrdreg s4  }
0xb9: {  	[dreg:$0x5] =	wrdreg s5  }
0xba: {  	[dreg:$0x6] =	wrdreg s0  }
0xbb: {  	[dreg:$0x7] =	wrdreg s15  }
0xbc: {  	[dreg:$0x8] =	wrdreg s16  }
0xbd: {  	[dreg:$0x9] =	wrdreg s8  }
0xbe: {  	[dreg:$0xa] =	wrdreg s17  }
0xbf: {  	[dreg:$0xb] =	wrdreg $0x9  }
0xc0: {  	_ =	task.clear_ibuf [dreg:s13], $0xCFFFF;
	_ =	strace $0x90000046  }
0xc1: {  	s26 =	simm.s32 $0x9;
	_ =	strace $0x80000048  }
0xc2: {  	_ =	swait.ge [sflag:s26], $0x1  }
0xc3: {  	[sflag:s26] =	ssyncadd.s32 $0xFFFFFFFF  }
0xc4: {  	_ =	strace $0x90000048  }
0xc5: {  	_ =	sfence  }
0xc6: {  	s28 =	sld [smem:$0x0];
	_ =	sdelay $0x1  }
0xc7: {  	s29 =	srdreg.scid  }
0xc8: {  	s30 =	sshll.u32 s29, $0xD;
	s31 =	sshrl.u32 s29, $0x2  }
0xc9: {  	s1 =	sand.u32 $0x1, s29;
	s2 =	sand.u32 $0x4000, s30;
	s0 =	sadd.s32 s31, s28  }
0xca: {  	s1 =	sor.u32 s2, s1;
	s0 =	sshll.u32 s0, $0x11  }
0xcb: {  	s0 =	sor.u32 s0, s1  }
0xcc: {  	s0 =	sadd.s32 $0x8F2B, s0  }
0xcd: {  	[sflag:s0] =	ssyncadd.remote.s32 $0x1  }
0xce: {  	_ =	sfence.sel $0xFFFF  }
0xcf: {  	[dreg:$0x0] =	wrdreg $0xFFFFFFFF;
	(pc) =	sbr.abs _section_cstart, $3  }
0xd0: {  	[dreg:$0x1] =	wrdreg $0xFFFFFFFF  }
0xd1: {  	_ =	task.clear_ibuf [dreg:s13], $0x2FFFF;
	_ =	strace $0x9FFFFFFF  }
0xd2: {  	(tm) =	ssettm $0x7FFFFFFF  }
0xd3: {  	_ =	shalt  }
tec
execute0_lowered:
.L_overlay_start_1:
0x0: {  	(tag) =	ssettag $0x1  }
0x1: {  	s10 =	rddreg [dreg:$0x0]  }
0x2: {  	s8 =	rddreg [dreg:$0x1]  }
0x3: {  	s6 =	rddreg [dreg:$0x2]  }
0x4: {  	s4 =	rddreg [dreg:$0x3]  }
0x5: {  	s2 =	rddreg [dreg:$0x4]  }
0x6: {  	s9 =	rddreg [dreg:$0x5]  }
0x7: {  	s7 =	rddreg [dreg:$0x6]  }
0x8: {  	s5 =	rddreg [dreg:$0x7]  }
0x9: {  	s1 =	rddreg [dreg:$0x8];
	s11 =	simm.s32 $0x0  }
0xa: {  	[smem:$0x7FF] =	sst s11  }
0xb: {  	s0 =	rddreg [dreg:$0x9];
	s12 =	simm.s32 $0x1;
	_ =	strace $0x80000047  }
0xc: {  	[tilespmem:s11], [sflag:$0x1] =	stream.linear.gather [hbm4b:s2+s11], $0x10, $0x38;
	[tilespmem:$0x1080] =	vst v63  }
0xd: {  	_ =	swait.ge [sflag:s12], $0x10  }
0xe: {  	[sflag:s12] =	ssyncset.done $0x0  }
0xf: {  	[sflag:s12] =	ssyncadd.s32 $0xFFFFFFF0  }
0x10: {  	v0 =	vld [tilespmem:$0x0];
	_ =	sdelay $0x1  }
0x11: {  	s2 =	stileid.u32  }
0x12: {  	v2 =	vlaneseq.u32;
	v1 =	vmov s2  }
0x13: {  	vm0 =	veq.s32 v1, v2  }
0x14: {  	v0 =	vnsel vm0, $0x0, v0  }
0x15: {  	(xrf0) =	vadd.scan.msk.s32 $0xffff, v0;
	_ =	sdelay $0x2  }
0x16: {  	s3 =	smul.u32 $0x1F4, s2;
	_ =	sdelay $0x1  }
0x17: {  	s13 =	simm.s32 $0x80;
	s10 =	sadd.s32 s10, s3  }
0x18: {  	[tilespmem:s13], [sflag:$0x1] =	stream.linear.gather [hbm4b:s10+s11], $0xFA0, $0x38;
	v0, _, _ =	vpop (xrf0);
	[tilespmem:$0x1080] =	vst v63  }
0x19: {  	_ =	swait.ge [sflag:s12], $0xFA0  }
0x1a: {  	[sflag:s12] =	ssyncset.done $0x0  }
0x1b: {  	s10 =	simm.s32 $0x0;
	s11 =	simm.s32 $0x40;
	v0 =	vbroadcast v0, $0xF;
	[sflag:s12] =	ssyncadd.s32 $0xFFFFF060  }
.LBB2_1:
0x1c: {  	p0 =	sne.s32 s11, $0x3E40;
	v1 =	vld [tilespmem:s10+$0x80];
	_ =	sdelay $0x1  }
.Ltmp0:
0x1d: {  	(pc) =	sbr.rel @p0 .LBB2_1-.Ltmp0, $3  }
0x1e: {  	_ =	sdelay $0x1  }
0x1f: {  	v1 =	vadd.s32 v0, v1  }
0x20: {  	[tilespmem:s10+$0x80] =	vst v1;
	s10 =	sshra.s32 s11, $0x2;
	s11 =	sadd.s32 $0x40, s11  }
0x21: {  	v1 =	vld [tilespmem:s10+$0x80];
	_ =	sdelay $0x4  }
0x22: {  	s9 =	sadd.s32 s9, s3;
	v1 =	vadd.s32 v0, v1  }
0x23: {  	s30 =	simm.s32 $0x0;
	s11 =	simm.s32 $0x80;
	s31 =	simm.s32 $0x1;
	[tilespmem:s10+$0x80] =	vst v1  }
0x24: {  	[hbm4b:s9+s30] =	stream.linear.scatter [tilespmem:s11], [sflag:$0x1], $0xFA0, $0x38;
	[tilespmem:$0x1080] =	vst v63  }
0x25: {  	_ =	swait.ge [sflag:s31], $0xFA0  }
0x26: {  	[sflag:s31] =	ssyncset.done $0x0  }
0x27: {  	s8 =	sadd.s32 s8, s3;
	[sflag:s31] =	ssyncadd.s32 $0xFFFFF060  }
0x28: {  	[tilespmem:s11], [sflag:$0x1] =	stream.linear.gather [hbm4b:s8+s30], $0xFA0, $0x38;
	[tilespmem:$0x1080] =	vst v63  }
0x29: {  	_ =	swait.ge [sflag:s31], $0xFA0  }
0x2a: {  	[sflag:s31] =	ssyncset.done $0x0  }
0x2b: {  	s9 =	simm.s32 $0x40;
	s8 =	simm.s32 $0x0;
	[sflag:s31] =	ssyncadd.s32 $0xFFFFF060  }
.LBB2_3:
0x2c: {  	p0 =	sne.s32 s9, $0x3E40;
	v1 =	vld [tilespmem:s8+$0x80];
	_ =	sdelay $0x1  }
.Ltmp1:
0x2d: {  	(pc) =	sbr.rel @p0 .LBB2_3-.Ltmp1, $3  }
0x2e: {  	_ =	sdelay $0x1  }
0x2f: {  	v1 =	vadd.s32 v0, v1  }
0x30: {  	[tilespmem:s8+$0x80] =	vst v1;
	s8 =	sshra.s32 s9, $0x2;
	s9 =	sadd.s32 $0x40, s9  }
0x31: {  	v1 =	vld [tilespmem:s8+$0x80];
	_ =	sdelay $0x4  }
0x32: {  	s7 =	sadd.s32 s7, s3;
	v1 =	vadd.s32 v0, v1  }
0x33: {  	s30 =	simm.s32 $0x0;
	s9 =	simm.s32 $0x80;
	s31 =	simm.s32 $0x1;
	[tilespmem:s8+$0x80] =	vst v1  }
0x34: {  	[hbm4b:s7+s30] =	stream.linear.scatter [tilespmem:s9], [sflag:$0x1], $0xFA0, $0x38;
	[tilespmem:$0x1080] =	vst v63  }
0x35: {  	_ =	swait.ge [sflag:s31], $0xFA0  }
0x36: {  	[sflag:s31] =	ssyncset.done $0x0  }
0x37: {  	s6 =	sadd.s32 s6, s3;
	[sflag:s31] =	ssyncadd.s32 $0xFFFFF060  }
0x38: {  	[tilespmem:s9], [sflag:$0x1] =	stream.linear.gather [hbm4b:s6+s30], $0xFA0, $0x38;
	[tilespmem:$0x1080] =	vst v63  }
0x39: {  	_ =	swait.ge [sflag:s31], $0xFA0  }
0x3a: {  	[sflag:s31] =	ssyncset.done $0x0  }
0x3b: {  	s7 =	simm.s32 $0x40;
	s6 =	simm.s32 $0x0;
	[sflag:s31] =	ssyncadd.s32 $0xFFFFF060  }
.LBB2_5:
0x3c: {  	p0 =	sne.s32 s7, $0x3E40;
	v1 =	vld [tilespmem:s6+$0x80];
	_ =	sdelay $0x1  }
.Ltmp2:
0x3d: {  	(pc) =	sbr.rel @p0 .LBB2_5-.Ltmp2, $3  }
0x3e: {  	_ =	sdelay $0x1  }
0x3f: {  	v1 =	vadd.s32 v0, v1  }
0x40: {  	[tilespmem:s6+$0x80] =	vst v1;
	s6 =	sshra.s32 s7, $0x2;
	s7 =	sadd.s32 $0x40, s7  }
0x41: {  	v1 =	vld [tilespmem:s6+$0x80];
	_ =	sdelay $0x4  }
0x42: {  	s5 =	sadd.s32 s5, s3;
	v1 =	vadd.s32 v0, v1  }
0x43: {  	s30 =	simm.s32 $0x0;
	s7 =	simm.s32 $0x80;
	s31 =	simm.s32 $0x1;
	[tilespmem:s6+$0x80] =	vst v1  }
0x44: {  	[hbm4b:s5+s30] =	stream.linear.scatter [tilespmem:s7], [sflag:$0x1], $0xFA0, $0x38;
	[tilespmem:$0x1080] =	vst v63  }
0x45: {  	_ =	swait.ge [sflag:s31], $0xFA0  }
0x46: {  	[sflag:s31] =	ssyncset.done $0x0  }
0x47: {  	s4 =	sadd.s32 s4, s3;
	[sflag:s31] =	ssyncadd.s32 $0xFFFFF060  }
0x48: {  	[tilespmem:s7], [sflag:$0x1] =	stream.linear.gather [hbm4b:s4+s30], $0xFA0, $0x38;
	[tilespmem:$0x1080] =	vst v63  }
0x49: {  	_ =	swait.ge [sflag:s31], $0xFA0  }
0x4a: {  	[sflag:s31] =	ssyncset.done $0x0  }
0x4b: {  	s5 =	simm.s32 $0x40;
	s4 =	simm.s32 $0x0;
	[sflag:s31] =	ssyncadd.s32 $0xFFFFF060  }
.LBB2_7:
0x4c: {  	p0 =	sne.s32 s5, $0x3E40;
	v1 =	vld [tilespmem:s4+$0x80];
	_ =	sdelay $0x1  }
.Ltmp3:
0x4d: {  	(pc) =	sbr.rel @p0 .LBB2_7-.Ltmp3, $3  }
0x4e: {  	_ =	sdelay $0x1  }
0x4f: {  	v1 =	vadd.s32 v0, v1  }
0x50: {  	[tilespmem:s4+$0x80] =	vst v1;
	s4 =	sshra.s32 s5, $0x2;
	s5 =	sadd.s32 $0x40, s5  }
0x51: {  	v1 =	vld [tilespmem:s4+$0x80];
	_ =	sdelay $0x4  }
0x52: {  	s1 =	sadd.s32 s1, s3;
	v0 =	vadd.s32 v0, v1  }
0x53: {  	s29 =	simm.s32 $0x0;
	s30 =	simm.s32 $0x80;
	s31 =	simm.s32 $0x1;
	[tilespmem:s4+$0x80] =	vst v0  }
0x54: {  	[hbm4b:s1+s29] =	stream.linear.scatter [tilespmem:s30], [sflag:$0x1], $0xFA0, $0x38;
	[tilespmem:$0x1080] =	vst v63  }
0x55: {  	_ =	swait.ge [sflag:s31], $0xFA0  }
0x56: {  	[sflag:s31] =	ssyncset.done $0x0  }
0x57: {  	[sflag:s31] =	ssyncadd.s32 $0xFFFFF060  }
0x58: {  	_ =	sfence.sel $0x180000  }
0x59: {  	[bflag:$0x0] =	sbarrier.arrive $0xFFFF  }
0x5a: {  	p0 =	sne.s32 s2, $0x0;
	_ =	strace $0x90000047  }
0x5b: {  	s0 =	sadd.s32 @!p0 $0x100000, s0;
	[bflag:$0x2] =	sbarrier.arrive $0xFFFF  }
0x5c: {  	[sflag:s0] =	ssyncadd.tile.s32 @!p0 $0x1;
	_ =	shalt  }
.Lfunc_end2:
_tile_overlayer_lowered:
.L_overlay_start_2:
0x5d: {  	(tag) =	ssettag $0x2  }
0x5e: {  	s0 =	rddreg [dreg:$0x0];
	s2 =	stileid.u32  }
0x5f: {  	s1 =	rddreg [dreg:$0x1];
	p0 =	sne.s32 s2, $0x0  }
0x60: {  	s3 =	rddreg [dreg:$0x2];
	[bflag:$0x3] =	sbarrier.arrive $0xFFFF;
	s2 =	simm.s32 @!p0 $0x1C01  }
0x61: {  	[timem:s3], [sflag:s2] =	dma.local @!p0 [hbm:s0], s1  }
0x62: {  	s0 =	simm.s32 @!p0 $0x1  }
0x63: {  	_ =	swait.ge @!p0 [sflag:s0], s1  }
0x64: {  	s1 =	ssub.s32 @!p0 $0x0, s1;
	[sflag:s0] =	ssyncset.done @!p0 $0x0  }
0x65: {  	[sflag:s0] =	ssyncadd.s32 @!p0 s1  }
0x66: {  	[bflag:$0x3] =	sbarrier.arrive $0xFFFF  }
0x67: {  	_ =	shalt  }

</sc_bundles>
